<compile_context>
chip_gen: v7x
topology: tpu7x:2x2x1
jax: 0.10.2.dev20260603
libtpu: 0.0.44.dev20260713+nightly
codegen_flags: <defaults>
</compile_context>

<pallas_src>
import functools

import jax
import jax.numpy as jnp
from jax import lax
from jax.experimental import pallas as pl
from jax.experimental.pallas import tpu as pltpu
from jax.experimental.pallas import tpu_sc as plsc

B, C_IN, L = 16, 128, 4096
HID, D, K = 384, 256, 8192
L2, L4 = L // 2, L // 4
NTOK = B * L4

TT = 1024
KK = 1024
NT_T = NTOK // TT
NT_K = K // KK

_BF = jnp.bfloat16
_F32 = jnp.float32


def _conv_body(r_ref, w1_ref, b1_ref, w2_ref, b2_ref, out_ref):
    r = r_ref[0]
    zs128 = jnp.zeros((1, C_IN), _BF)
    xm1 = jnp.concatenate([zs128, r[:-1, 3 * C_IN:4 * C_IN]], axis=0)
    a_e = jnp.concatenate([xm1, r[:, 0:3 * C_IN]], axis=1)
    xp4 = jnp.concatenate([r[1:, 0:C_IN], zs128], axis=0)
    a_o = jnp.concatenate([r[:, C_IN:4 * C_IN], xp4], axis=1)
    w1 = w1_ref[...]
    b1 = b1_ref[...]
    z1e = jnp.dot(a_e, w1, preferred_element_type=_F32) + b1
    z1o = jnp.dot(a_o, w1, preferred_element_type=_F32) + b1
    z1e_b = z1e.astype(_BF)
    z1o_b = z1o.astype(_BF)
    zs384 = jnp.zeros((1, HID), _BF)
    sd_o = jnp.concatenate([zs384, z1o_b[:-1]], axis=0)
    su_e = jnp.concatenate([z1e_b[1:], zs384], axis=0)
    w2 = w2_ref[...]
    ze = jnp.dot(sd_o, w2[0:HID], preferred_element_type=_F32)
    ze = ze + jnp.dot(z1e_b, w2[HID:2 * HID], preferred_element_type=_F32)
    ze = ze + jnp.dot(z1o_b, w2[2 * HID:3 * HID], preferred_element_type=_F32)
    ze = ze + jnp.dot(su_e, w2[3 * HID:4 * HID], preferred_element_type=_F32)
    ze = ze + b2_ref[...]
    out_ref[0] = ze


def _conv_call(r, w1c, b1, w2c, b2):
    return pl.pallas_call(
        _conv_body,
        grid=(B,),
        in_specs=[
            pl.BlockSpec((1, L4, 4 * C_IN), lambda b: (b, 0, 0)),
            pl.BlockSpec((4 * C_IN, HID), lambda b: (0, 0)),
            pl.BlockSpec((1, HID), lambda b: (0, 0)),
            pl.BlockSpec((4 * HID, D), lambda b: (0, 0)),
            pl.BlockSpec((1, D), lambda b: (0, 0)),
        ],
        out_specs=pl.BlockSpec((1, L4, D), lambda b: (b, 0, 0)),
        out_shape=jax.ShapeDtypeStruct((B, L4, D), jnp.float32),
    )(r, w1c, b1, w2c, b2)


def _csq_body(cb_ref, out_ref):
    cb = cb_ref[...]
    s = jnp.sum(cb * cb, axis=1)
    out_ref[...] = s.reshape(1, KK)


def _csq_call(cb):
    return pl.pallas_call(
        _csq_body,
        grid=(NT_K,),
        in_specs=[pl.BlockSpec((KK, D), lambda j: (j, 0))],
        out_specs=pl.BlockSpec((1, KK), lambda j: (0, j)),
        out_shape=jax.ShapeDtypeStruct((1, K), jnp.float32),
    )(cb)


_TILES_PER_CHUNK = 4096 // KK


def _vq_body(z_ref, cbt_ref, csq_ref, idx_ref,
             zsq_s, zm2_s, cmin_s, cidx_s, gmin_s, gidx_s):
    j = pl.program_id(1)

    @pl.when(j == 0)
    def _init():
        z = z_ref[...]
        zsq_s[...] = jnp.sum(z * z, axis=1, keepdims=True)
        zm2_s[...] = (-2.0 * z).astype(_BF)
        gmin_s[...] = jnp.full((TT, 1), jnp.inf, jnp.float32)
        gidx_s[...] = jnp.zeros((TT, 1), jnp.int32)

    @pl.when(j % _TILES_PER_CHUNK == 0)
    def _chunk_init():
        cmin_s[...] = jnp.full((TT, 1), jnp.inf, jnp.float32)
        cidx_s[...] = jnp.zeros((TT, 1), jnp.int32)

    mm2 = jnp.dot(zm2_s[...], cbt_ref[...], preferred_element_type=_F32)
    dist = (zsq_s[...] + mm2) + csq_ref[...]
    tmin = jnp.min(dist, axis=1, keepdims=True)
    lanes = lax.broadcasted_iota(jnp.int32, (TT, KK), 1)
    tidx = jnp.min(jnp.where(dist == tmin, lanes, K), axis=1, keepdims=True)
    tidx = tidx + j * KK
    better = tmin < cmin_s[...]
    cmin_s[...] = jnp.where(better, tmin, cmin_s[...])
    cidx_s[...] = jnp.where(better, tidx, cidx_s[...])

    @pl.when(j % _TILES_PER_CHUNK == _TILES_PER_CHUNK - 1)
    def _commit():
        take = cmin_s[...] < gmin_s[...]
        gmin_s[...] = jnp.where(take, cmin_s[...], gmin_s[...]).astype(_BF).astype(_F32)
        gidx_s[...] = jnp.where(take, cidx_s[...], gidx_s[...])

    @pl.when(j == NT_K - 1)
    def _out():
        idx_ref[...] = gidx_s[...]


def _vq_call(z_flat, cbt, csq):
    return pl.pallas_call(
        _vq_body,
        grid=(NT_T, NT_K),
        in_specs=[
            pl.BlockSpec((TT, D), lambda i, j: (i, 0)),
            pl.BlockSpec((D, KK), lambda i, j: (0, j)),
            pl.BlockSpec((1, KK), lambda i, j: (0, j)),
        ],
        out_specs=pl.BlockSpec((TT, 1), lambda i, j: (i, 0)),
        out_shape=jax.ShapeDtypeStruct((NTOK, 1), jnp.int32),
        scratch_shapes=[
            pltpu.VMEM((TT, 1), jnp.float32),
            pltpu.VMEM((TT, D), _BF),
            pltpu.VMEM((TT, 1), jnp.float32),
            pltpu.VMEM((TT, 1), jnp.int32),
            pltpu.VMEM((TT, 1), jnp.float32),
            pltpu.VMEM((TT, 1), jnp.int32),
        ],
    )(z_flat, cbt, csq)


_SC_NW = 32
_SC_TOK = 4096
_SC_RPW = _SC_TOK // _SC_NW
_TC_TOK = NTOK - _SC_TOK
_TC_TILE = 1024


def _gather_body(cb_hbm, idx_hbm, out_hbm, idx_v, rows_v, sem_g, sem_s):
    wid = lax.axis_index("s") * 2 + lax.axis_index("c")
    base = wid * _SC_RPW
    pltpu.sync_copy(idx_hbm.at[pl.ds(base, _SC_RPW)], idx_v)
    pltpu.async_copy(cb_hbm.at[idx_v], rows_v, sem_g).wait()
    pltpu.async_copy(rows_v, out_hbm.at[pl.ds(base, _SC_RPW)], sem_s).wait()


@functools.cache
def _gather_call():
    return pl.kernel(
        _gather_body,
        out_type=jax.ShapeDtypeStruct((_SC_TOK, D), jnp.float32),
        mesh=plsc.VectorSubcoreMesh(core_axis_name="c", subcore_axis_name="s"),
        scratch_types=[
            pltpu.VMEM((_SC_RPW,), jnp.int32),
            pltpu.VMEM((_SC_RPW, D), jnp.float32),
            pltpu.SemaphoreType.DMA,
            pltpu.SemaphoreType.DMA,
        ],
    )


def _tc_gather_body(idx_ref, cb_ref, out_ref):
    def body(i, carry):
        r0 = i * 8
        rows = jnp.concatenate(
            [cb_ref[pl.ds(idx_ref[r0 + u], 1), :] for u in range(8)], axis=0
        )
        out_ref[pl.ds(r0, 8), :] = rows
        return carry

    lax.fori_loop(0, _TC_TILE // 8, body, 0)


def _tc_gather_call(cb, idx_tc):
    return pl.pallas_call(
        _tc_gather_body,
        grid=(_TC_TOK // _TC_TILE,),
        in_specs=[
            pl.BlockSpec((_TC_TILE,), lambda i: (i,), memory_space=pltpu.SMEM),
            pl.BlockSpec((K, D), lambda i: (0, 0)),
        ],
        out_specs=pl.BlockSpec((_TC_TILE, D), lambda i: (i, 0)),
        out_shape=jax.ShapeDtypeStruct((_TC_TOK, D), jnp.float32),
    )(idx_tc, cb)


def kernel(x, W1, b1, W2, b2, codebook):
    r = jnp.transpose(x, (0, 2, 1)).reshape(B, L4, 4 * C_IN).astype(_BF)
    w1c = jnp.transpose(W1, (2, 1, 0)).reshape(4 * C_IN, HID).astype(_BF)
    w2c = jnp.transpose(W2, (2, 1, 0)).reshape(4 * HID, D).astype(_BF)
    b1r = b1.reshape(1, HID)
    b2r = b2.reshape(1, D)
    cbt = codebook.T.astype(_BF)

    z_tok = _conv_call(r, w1c, b1r, w2c, b2r)
    csq = _csq_call(codebook)
    z_flat = z_tok.reshape(NTOK, D)
    idx2d = _vq_call(z_flat, cbt, csq)
    indices = idx2d.reshape(NTOK)
    zq_sc = _gather_call()(codebook, indices[:_SC_TOK])
    zq_tc = _tc_gather_call(codebook, indices[_SC_TOK:])
    zq_flat = jnp.concatenate([zq_sc, zq_tc], axis=0)

    z_q = zq_flat.reshape(B, D, L4)
    z_e = jnp.transpose(z_tok, (0, 2, 1))
    return (z_q, indices, z_e)

# --- scband reference (transcript-rebuilt; emitter-appended) ---
"""Pipeline reference for scband-vqvaeencoder-70231305224439 (READ-ONLY COPY).

The authoritative reference and input builder live on the scoring server;
editing this copy changes nothing except your own understanding.
"""

import jax, jax.numpy as jnp
import numpy as np

B, C_IN, L = 16, 128, 4096
HID, D, K = 384, 256, 8192


def _conv1d(x, w, b):
    # x: [N, C, L]; w: [O, I, KW] (torch Conv1d layout); stride 2, padding 1
    y = jax.lax.conv_general_dilated(
        x, w,
        window_strides=(2,),
        padding=[(1, 1)],
        dimension_numbers=("NCH", "OIH", "NCH"),
    )
    return y + b[None, :, None]


def setup_inputs(seed: int = 0) -> dict:
    key = jax.random.key(seed)
    k0, k1, k2, k3 = jax.random.split(key, 4)
    x = jax.random.normal(k0, (B, C_IN, L), dtype=jnp.float32)
    # Conv1 params: kernel_size=4
    fan1 = C_IN * 4
    W1 = jax.random.uniform(k1, (HID, C_IN, 4), dtype=jnp.float32,
                            minval=-1.0, maxval=1.0) / np.float32(np.sqrt(fan1))
    b1 = jnp.zeros((HID,), dtype=jnp.float32)
    # Conv2 params
    fan2 = HID * 4
    W2 = jax.random.uniform(k2, (D, HID, 4), dtype=jnp.float32,
                            minval=-1.0, maxval=1.0) / np.float32(np.sqrt(fan2))
    b2 = jnp.zeros((D,), dtype=jnp.float32)
    # Codebook (nn.Embedding default init ~ N(0,1))
    codebook = jax.random.normal(k3, (K, D), dtype=jnp.float32)
    return {"x": x, "W1": W1, "b1": b1, "W2": W2, "b2": b2, "codebook": codebook}


def reference(x, W1, b1, W2, b2, codebook):
    z_e = _conv1d(x, W1, b1)          # [B, HID, L/2]
    z_e = _conv1d(z_e, W2, b2)        # [B, D, L/4]
    Bn, Dd, Ll = z_e.shape
    z_e_flat = jnp.transpose(z_e, (0, 2, 1)).reshape(-1, Dd)  # [B*L4, D]
    distances = (
        jnp.sum(z_e_flat ** 2, axis=1, keepdims=True)
        - 2.0 * (z_e_flat @ codebook.T)
        + jnp.sum(codebook ** 2, axis=1)
    )                                  # [B*L4, K]
    encoding_indices = jnp.argmin(distances, axis=1)          # [B*L4]
    # Faithful to torch: .view(z_e.shape) reshapes flat rows directly into
    # [B, D, L4] WITHOUT permuting back.
    z_q = jnp.take(codebook, encoding_indices, axis=0).reshape(z_e.shape)
    return (z_q, encoding_indices, z_e)

if __name__ == "__main__":
    import jax
    _d = setup_inputs()
    print(jax.jit(kernel)(*tuple(_d.values())))

</pallas_src>

<mosaic_0001>
#map = affine_map<(d0, d1) -> (0, 0)>
#map1 = affine_map<(d0, d1) -> (0)>
module attributes {stable_mosaic.version = 14 : i64} {
  func.func @_gather_body(%arg0: i32, %arg1: i32, %arg2: memref<8192x256xf32, #tpu.memory_space<hbm>>, %arg3: memref<4096xi32, #tpu.memory_space<hbm>>, %arg4: memref<4096x256xf32, #tpu.memory_space<hbm>>, %arg5: memref<128xi32, #tpu.memory_space<vmem>>, %arg6: memref<128x256xf32, #tpu.memory_space<vmem>>, %arg7: memref<!tpu.dma_semaphore, #tpu.memory_space<semaphore_mem>>, %arg8: memref<!tpu.dma_semaphore, #tpu.memory_space<semaphore_mem>>) attributes {dimension_semantics = [#tpu.dimension_semantics<core_parallel>, #tpu.dimension_semantics<subcore_parallel>], iteration_bounds = array<i64: 2, 16>, scalar_prefetch = 0 : i64, scratch_operands = 4 : i64, tpu.core_type = #tpu.core_type<sc_vector_subcore>, window_params = [{transform_indices = #map}, {transform_indices = #map1}, {transform_indices = #map}]} {
    %mul3A = arith.constant 2 : i32
    %mul3A_0 = arith.muli %arg1, %mul3A : i32
    %add3A = arith.addi %mul3A_0, %arg0 : i32
    %mul3A_1 = arith.constant 128 : i32
    %mul3A_2 = arith.muli %add3A, %mul3A_1 : i32
    "tpu.region"() ({
      %run_scoped3A = tpu.sem_alloc : memref<!tpu.dma_semaphore, #tpu.memory_space<semaphore_mem>>
      %dma_start3A_15 = tpu.memref_slice %arg3[%mul3A_2] : memref<4096xi32, #tpu.memory_space<hbm>> -> memref<128xi32, #tpu.memory_space<hbm>>
      %dma_start3A_16 = tpu.memref_slice %arg3[%mul3A_2] : memref<4096xi32, #tpu.memory_space<hbm>> -> memref<128xi32, #tpu.memory_space<hbm>>
      tpu.enqueue_dma source(%dma_start3A_16 : memref<128xi32, #tpu.memory_space<hbm>>) target(%arg5 : memref<128xi32, #tpu.memory_space<vmem>>) target_semaphore(%run_scoped3A : memref<!tpu.dma_semaphore, #tpu.memory_space<semaphore_mem>>)
      %dma_wait3A_17 = tpu.memref_slice %arg3[%mul3A_2] : memref<4096xi32, #tpu.memory_space<hbm>> -> memref<128xi32, #tpu.memory_space<hbm>>
      %dma_wait3A_18 = tpu.memref_slice %arg3[%mul3A_2] : memref<4096xi32, #tpu.memory_space<hbm>> -> memref<128xi32, #tpu.memory_space<hbm>>
      tpu.wait_dma2 semaphore(%run_scoped3A : memref<!tpu.dma_semaphore, #tpu.memory_space<semaphore_mem>>) src(%dma_wait3A_18 : memref<128xi32, #tpu.memory_space<hbm>>) dst(%arg5 : memref<128xi32, #tpu.memory_space<vmem>>)
      tpu.yield
    }) : () -> ()
    %dma_start3A = arith.constant 0 : i32
    %dma_start3A_3 = arith.constant 0 : i32
    %dma_start3A_4 = tpu.memref_slice %arg2[%dma_start3A, %dma_start3A_3] : memref<8192x256xf32, #tpu.memory_space<hbm>> -> memref<8192x256xf32, #tpu.memory_space<hbm>>
    tpu.enqueue_indirect_dma source(%dma_start3A_4 : memref<8192x256xf32, #tpu.memory_space<hbm>>) target(%arg6 : memref<128x256xf32, #tpu.memory_space<vmem>>) offsets(%arg5 : memref<128xi32, #tpu.memory_space<vmem>>) semaphore(%arg7 : memref<!tpu.dma_semaphore, #tpu.memory_space<semaphore_mem>>)
    %dma_wait3A = arith.constant 0 : i32
    %dma_wait3A_5 = arith.constant 0 : i32
    %dma_wait3A_6 = tpu.memref_slice %arg2[%dma_wait3A, %dma_wait3A_5] : memref<8192x256xf32, #tpu.memory_space<hbm>> -> memref<8192x256xf32, #tpu.memory_space<hbm>>
    tpu.wait_indirect_dma semaphore(%arg7 : memref<!tpu.dma_semaphore, #tpu.memory_space<semaphore_mem>>) src(%dma_wait3A_6 : memref<8192x256xf32, #tpu.memory_space<hbm>>) dst(%arg6 : memref<128x256xf32, #tpu.memory_space<vmem>>)
    %dma_start3A_7 = arith.constant 0 : i32
    %dma_start3A_8 = tpu.memref_slice %arg4[%mul3A_2, %dma_start3A_7] : memref<4096x256xf32, #tpu.memory_space<hbm>> -> memref<128x256xf32, #tpu.memory_space<hbm>>
    %dma_start3A_9 = arith.constant 0 : i32
    %dma_start3A_10 = tpu.memref_slice %arg4[%mul3A_2, %dma_start3A_9] : memref<4096x256xf32, #tpu.memory_space<hbm>> -> memref<128x256xf32, #tpu.memory_space<hbm>>
    tpu.enqueue_dma source(%arg6 : memref<128x256xf32, #tpu.memory_space<vmem>>) target(%dma_start3A_10 : memref<128x256xf32, #tpu.memory_space<hbm>>) target_semaphore(%arg8 : memref<!tpu.dma_semaphore, #tpu.memory_space<semaphore_mem>>)
    %dma_wait3A_11 = arith.constant 0 : i32
    %dma_wait3A_12 = tpu.memref_slice %arg4[%mul3A_2, %dma_wait3A_11] : memref<4096x256xf32, #tpu.memory_space<hbm>> -> memref<128x256xf32, #tpu.memory_space<hbm>>
    %dma_wait3A_13 = arith.constant 0 : i32
    %dma_wait3A_14 = tpu.memref_slice %arg4[%mul3A_2, %dma_wait3A_13] : memref<4096x256xf32, #tpu.memory_space<hbm>> -> memref<128x256xf32, #tpu.memory_space<hbm>>
    tpu.wait_dma2 semaphore(%arg8 : memref<!tpu.dma_semaphore, #tpu.memory_space<semaphore_mem>>) src(%arg6 : memref<128x256xf32, #tpu.memory_space<vmem>>) dst(%dma_wait3A_14 : memref<128x256xf32, #tpu.memory_space<hbm>>)
    return
  }
}

module attributes {stable_mosaic.version = 14 : i64} {
  func.func @_csq_body(%arg0: i32, %arg1: memref<1024x256xf32, #tpu.memory_space<vmem>>, %arg2: memref<1x1024xf32, #tpu.memory_space<vmem>>) attributes {dimension_semantics = [#tpu.dimension_semantics<arbitrary>], iteration_bounds = array<i64: 8>, scalar_prefetch = 0 : i64, scratch_operands = 0 : i64, tpu.core_type = #tpu.core_type<tc>, window_params = [{transform_indices = @transform_0, window_bounds = array<i64: 1024, 256>}, {transform_indices = @transform_1, window_bounds = array<i64: 1, 1024>}]} {
    %get3A = arith.constant 0 : index
    %get3A_0 = arith.constant 0 : index
    %get3A_1 = vector.load %arg1[%get3A, %get3A_0] : memref<1024x256xf32, #tpu.memory_space<vmem>>, vector<1024x256xf32>
    %mul3A = arith.mulf %get3A_1, %get3A_1 : vector<1024x256xf32>
    %reduce_sum3A = arith.constant dense<0.000000e+00> : vector<1024xf32>
    %reduce_sum3A_2 = vector.multi_reduction <add>, %mul3A, %reduce_sum3A [1] : vector<1024x256xf32> to vector<1024xf32>
    %reshape3A = vector.shape_cast %reduce_sum3A_2 : vector<1024xf32> to vector<1x1024xf32>
    %swap3A = arith.constant 0 : index
    %swap3A_3 = arith.constant 0 : index
    %swap3A_4 = vector.load %arg2[%swap3A, %swap3A_3] : memref<1x1024xf32, #tpu.memory_space<vmem>>, vector<1x1024xf32>
    tpu.vector_store %arg2[%swap3A, %swap3A_3], %reshape3A {strides = array<i32>} : memref<1x1024xf32, #tpu.memory_space<vmem>>, vector<1x1024xf32>,
    return
  }
  func.func @transform_0(%arg0: i32) -> (i32, i32) {
    %c0_i32 = arith.constant 0 : i32
    %c0_i32_0 = arith.constant 0 : i32
    return %arg0, %c0_i32 : i32, i32
  }
  func.func @transform_1(%arg0: i32) -> (i32, i32) {
    %c0_i32 = arith.constant 0 : i32
    %c0_i32_0 = arith.constant 0 : i32
    return %c0_i32, %arg0 : i32, i32
  }
}

module attributes {stable_mosaic.version = 14 : i64} {
  func.func @_conv_body(%arg0: i32, %arg1: memref<1x1024x512xbf16, #tpu.memory_space<vmem>>, %arg2: memref<512x384xbf16, #tpu.memory_space<vmem>>, %arg3: memref<1x384xf32, #tpu.memory_space<vmem>>, %arg4: memref<1536x256xbf16, #tpu.memory_space<vmem>>, %arg5: memref<1x256xf32, #tpu.memory_space<vmem>>, %arg6: memref<1x1024x256xf32, #tpu.memory_space<vmem>>) attributes {dimension_semantics = [#tpu.dimension_semantics<arbitrary>], iteration_bounds = array<i64: 16>, scalar_prefetch = 0 : i64, scratch_operands = 0 : i64, tpu.core_type = #tpu.core_type<tc>, window_params = [{transform_indices = @transform_0, window_bounds = array<i64: 1, 1024, 512>}, {pipeline_mode = #tpu.pipeline_mode<synchronous>, transform_indices = @transform_1, window_bounds = array<i64: 512, 384>}, {pipeline_mode = #tpu.pipeline_mode<synchronous>, transform_indices = @transform_2, window_bounds = array<i64: 1, 384>}, {pipeline_mode = #tpu.pipeline_mode<synchronous>, transform_indices = @transform_3, window_bounds = array<i64: 1536, 256>}, {pipeline_mode = #tpu.pipeline_mode<synchronous>, transform_indices = @transform_4, window_bounds = array<i64: 1, 256>}, {transform_indices = @transform_5, window_bounds = array<i64: 1, 1024, 256>}]} {
    %get3A = arith.constant 0 : index
    %get3A_0 = arith.constant 0 : index
    %get3A_1 = arith.constant 0 : index
    %get3A_2 = vector.load %arg1[%get3A, %get3A_0, %get3A_1] : memref<1x1024x512xbf16, #tpu.memory_space<vmem>>, vector<1x1024x512xbf16>
    %get3A_3 = vector.shape_cast %get3A_2 : vector<1x1024x512xbf16> to vector<1024x512xbf16>
    %broadcast_in_dim3A = arith.constant 0.000000e+00 : bf16
    %broadcast_in_dim3A_4 = vector.broadcast %broadcast_in_dim3A : bf16 to vector<1x128xbf16>
    %slice3A = vector.extract_strided_slice %get3A_3 {offsets = [0, 384], sizes = [1023, 128], strides = [1, 1]} : vector<1024x512xbf16> to vector<1023x128xbf16>
    %concatenate3A = tpu.concatenate %broadcast_in_dim3A_4, %slice3A in 0 : vector<1x128xbf16>, vector<1023x128xbf16> -> vector<1024x128xbf16>
    %slice3A_5 = vector.extract_strided_slice %get3A_3 {offsets = [0, 0], sizes = [1024, 384], strides = [1, 1]} : vector<1024x512xbf16> to vector<1024x384xbf16>
    %concatenate3A_6 = tpu.concatenate %concatenate3A, %slice3A_5 in 1 : vector<1024x128xbf16>, vector<1024x384xbf16> -> vector<1024x512xbf16>
    %slice3A_7 = vector.extract_strided_slice %get3A_3 {offsets = [1, 0], sizes = [1023, 128], strides = [1, 1]} : vector<1024x512xbf16> to vector<1023x128xbf16>
    %concatenate3A_8 = tpu.concatenate %slice3A_7, %broadcast_in_dim3A_4 in 0 : vector<1023x128xbf16>, vector<1x128xbf16> -> vector<1024x128xbf16>
    %slice3A_9 = vector.extract_strided_slice %get3A_3 {offsets = [0, 128], sizes = [1024, 384], strides = [1, 1]} : vector<1024x512xbf16> to vector<1024x384xbf16>
    %concatenate3A_10 = tpu.concatenate %slice3A_9, %concatenate3A_8 in 1 : vector<1024x384xbf16>, vector<1024x128xbf16> -> vector<1024x512xbf16>
    %get3A_11 = arith.constant 0 : index
    %get3A_12 = arith.constant 0 : index
    %get3A_13 = vector.load %arg2[%get3A_11, %get3A_12] : memref<512x384xbf16, #tpu.memory_space<vmem>>, vector<512x384xbf16>
    %get3A_14 = arith.constant 0 : index
    %get3A_15 = arith.constant 0 : index
    %get3A_16 = vector.load %arg3[%get3A_14, %get3A_15] : memref<1x384xf32, #tpu.memory_space<vmem>>, vector<1x384xf32>
    %dot_general3A = arith.constant dense<0.000000e+00> : vector<1024x384xf32>
    %dot_general3A_17 = tpu.matmul %concatenate3A_6, %get3A_13, %dot_general3A {dimension_numbers = #tpu.dot_dimension_numbers<[1], [0], [0], [1], [0, 0, 1, 1], [], []>, transpose_lhs_hint = false} : vector<1024x512xbf16>, vector<512x384xbf16>, vector<1024x384xf32> -> vector<1024x384xf32>
    %add3A = vector.broadcast %get3A_16 : vector<1x384xf32> to vector<1024x384xf32>
    %add3A_18 = arith.addf %dot_general3A_17, %add3A : vector<1024x384xf32>
    %dot_general3A_19 = arith.constant dense<0.000000e+00> : vector<1024x384xf32>
    %dot_general3A_20 = tpu.matmul %concatenate3A_10, %get3A_13, %dot_general3A_19 {dimension_numbers = #tpu.dot_dimension_numbers<[1], [0], [0], [1], [0, 0, 1, 1], [], []>, transpose_lhs_hint = false} : vector<1024x512xbf16>, vector<512x384xbf16>, vector<1024x384xf32> -> vector<1024x384xf32>
    %add3A_21 = vector.broadcast %get3A_16 : vector<1x384xf32> to vector<1024x384xf32>
    %add3A_22 = arith.addf %dot_general3A_20, %add3A_21 : vector<1024x384xf32>
    %convert_element_type3A = arith.truncf %add3A_18 : vector<1024x384xf32> to vector<1024x384xbf16>
    %convert_element_type3A_23 = arith.truncf %add3A_22 : vector<1024x384xf32> to vector<1024x384xbf16>
    %broadcast_in_dim3A_24 = arith.constant 0.000000e+00 : bf16
    %broadcast_in_dim3A_25 = vector.broadcast %broadcast_in_dim3A_24 : bf16 to vector<1x384xbf16>
    %slice3A_26 = vector.extract_strided_slice %convert_element_type3A_23 {offsets = [0, 0], sizes = [1023, 384], strides = [1, 1]} : vector<1024x384xbf16> to vector<1023x384xbf16>
    %concatenate3A_27 = tpu.concatenate %broadcast_in_dim3A_25, %slice3A_26 in 0 : vector<1x384xbf16>, vector<1023x384xbf16> -> vector<1024x384xbf16>
    %slice3A_28 = vector.extract_strided_slice %convert_element_type3A {offsets = [1, 0], sizes = [1023, 384], strides = [1, 1]} : vector<1024x384xbf16> to vector<1023x384xbf16>
    %concatenate3A_29 = tpu.concatenate %slice3A_28, %broadcast_in_dim3A_25 in 0 : vector<1023x384xbf16>, vector<1x384xbf16> -> vector<1024x384xbf16>
    %get3A_30 = arith.constant 0 : index
    %get3A_31 = arith.constant 0 : index
    %get3A_32 = vector.load %arg4[%get3A_30, %get3A_31] : memref<1536x256xbf16, #tpu.memory_space<vmem>>, vector<1536x256xbf16>
    %slice3A_33 = vector.extract_strided_slice %get3A_32 {offsets = [0, 0], sizes = [384, 256], strides = [1, 1]} : vector<1536x256xbf16> to vector<384x256xbf16>
    %dot_general3A_34 = arith.constant dense<0.000000e+00> : vector<1024x256xf32>
    %dot_general3A_35 = tpu.matmul %concatenate3A_27, %slice3A_33, %dot_general3A_34 {dimension_numbers = #tpu.dot_dimension_numbers<[1], [0], [0], [1], [0, 0, 1, 1], [], []>, transpose_lhs_hint = false} : vector<1024x384xbf16>, vector<384x256xbf16>, vector<1024x256xf32> -> vector<1024x256xf32>
    %slice3A_36 = vector.extract_strided_slice %get3A_32 {offsets = [384, 0], sizes = [384, 256], strides = [1, 1]} : vector<1536x256xbf16> to vector<384x256xbf16>
    %dot_general3A_37 = arith.constant dense<0.000000e+00> : vector<1024x256xf32>
    %dot_general3A_38 = tpu.matmul %convert_element_type3A, %slice3A_36, %dot_general3A_37 {dimension_numbers = #tpu.dot_dimension_numbers<[1], [0], [0], [1], [0, 0, 1, 1], [], []>, transpose_lhs_hint = false} : vector<1024x384xbf16>, vector<384x256xbf16>, vector<1024x256xf32> -> vector<1024x256xf32>
    %add3A_39 = arith.addf %dot_general3A_35, %dot_general3A_38 : vector<1024x256xf32>
    %slice3A_40 = vector.extract_strided_slice %get3A_32 {offsets = [768, 0], sizes = [384, 256], strides = [1, 1]} : vector<1536x256xbf16> to vector<384x256xbf16>
    %dot_general3A_41 = arith.constant dense<0.000000e+00> : vector<1024x256xf32>
    %dot_general3A_42 = tpu.matmul %convert_element_type3A_23, %slice3A_40, %dot_general3A_41 {dimension_numbers = #tpu.dot_dimension_numbers<[1], [0], [0], [1], [0, 0, 1, 1], [], []>, transpose_lhs_hint = false} : vector<1024x384xbf16>, vector<384x256xbf16>, vector<1024x256xf32> -> vector<1024x256xf32>
    %add3A_43 = arith.addf %add3A_39, %dot_general3A_42 : vector<1024x256xf32>
    %slice3A_44 = vector.extract_strided_slice %get3A_32 {offsets = [1152, 0], sizes = [384, 256], strides = [1, 1]} : vector<1536x256xbf16> to vector<384x256xbf16>
    %dot_general3A_45 = arith.constant dense<0.000000e+00> : vector<1024x256xf32>
    %dot_general3A_46 = tpu.matmul %concatenate3A_29, %slice3A_44, %dot_general3A_45 {dimension_numbers = #tpu.dot_dimension_numbers<[1], [0], [0], [1], [0, 0, 1, 1], [], []>, transpose_lhs_hint = false} : vector<1024x384xbf16>, vector<384x256xbf16>, vector<1024x256xf32> -> vector<1024x256xf32>
    %add3A_47 = arith.addf %add3A_43, %dot_general3A_46 : vector<1024x256xf32>
    %get3A_48 = arith.constant 0 : index
    %get3A_49 = arith.constant 0 : index
    %get3A_50 = vector.load %arg5[%get3A_48, %get3A_49] : memref<1x256xf32, #tpu.memory_space<vmem>>, vector<1x256xf32>
    %add3A_51 = vector.broadcast %get3A_50 : vector<1x256xf32> to vector<1024x256xf32>
    %add3A_52 = arith.addf %add3A_47, %add3A_51 : vector<1024x256xf32>
    %swap3A = arith.constant 0 : index
    %swap3A_53 = arith.constant 0 : index
    %swap3A_54 = arith.constant 0 : index
    %swap3A_55 = vector.load %arg6[%swap3A, %swap3A_53, %swap3A_54] : memref<1x1024x256xf32, #tpu.memory_space<vmem>>, vector<1x1024x256xf32>
    %swap3A_56 = vector.shape_cast %swap3A_55 : vector<1x1024x256xf32> to vector<1024x256xf32>
    %swap3A_57 = vector.shape_cast %add3A_52 : vector<1024x256xf32> to vector<1x1024x256xf32>
    tpu.vector_store %arg6[%swap3A, %swap3A_53, %swap3A_54], %swap3A_57 {strides = array<i32>} : memref<1x1024x256xf32, #tpu.memory_space<vmem>>, vector<1x1024x256xf32>,
    return
  }
  func.func @transform_0(%arg0: i32) -> (i32, i32, i32) {
    %c0_i32 = arith.constant 0 : i32
    %c0_i32_0 = arith.constant 0 : i32
    %c0_i32_1 = arith.constant 0 : i32
    return %arg0, %c0_i32, %c0_i32_0 : i32, i32, i32
  }
  func.func @transform_1(%arg0: i32) -> (i32, i32) {
    %c0_i32 = arith.constant 0 : i32
    %c0_i32_0 = arith.constant 0 : i32
    %c0_i32_1 = arith.constant 0 : i32
    return %c0_i32, %c0_i32_0 : i32, i32
  }
  func.func @transform_2(%arg0: i32) -> (i32, i32) {
    %c0_i32 = arith.constant 0 : i32
    %c0_i32_0 = arith.constant 0 : i32
    %c0_i32_1 = arith.constant 0 : i32
    return %c0_i32, %c0_i32_0 : i32, i32
  }
  func.func @transform_3(%arg0: i32) -> (i32, i32) {
    %c0_i32 = arith.constant 0 : i32
    %c0_i32_0 = arith.constant 0 : i32
    %c0_i32_1 = arith.constant 0 : i32
    return %c0_i32, %c0_i32_0 : i32, i32
  }
  func.func @transform_4(%arg0: i32) -> (i32, i32) {
    %c0_i32 = arith.constant 0 : i32
    %c0_i32_0 = arith.constant 0 : i32
    %c0_i32_1 = arith.constant 0 : i32
    return %c0_i32, %c0_i32_0 : i32, i32
  }
  func.func @transform_5(%arg0: i32) -> (i32, i32, i32) {
    %c0_i32 = arith.constant 0 : i32
    %c0_i32_0 = arith.constant 0 : i32
    %c0_i32_1 = arith.constant 0 : i32
    return %arg0, %c0_i32, %c0_i32_0 : i32, i32, i32
  }
}

module attributes {stable_mosaic.version = 14 : i64} {
  func.func @_vq_body(%arg0: i32, %arg1: i32, %arg2: memref<1024x256xf32, #tpu.memory_space<vmem>>, %arg3: memref<256x1024xbf16, #tpu.memory_space<vmem>>, %arg4: memref<1x1024xf32, #tpu.memory_space<vmem>>, %arg5: memref<1024x1xi32, #tpu.memory_space<vmem>>, %arg6: memref<1024x1xf32, #tpu.memory_space<vmem>>, %arg7: memref<1024x256xbf16, #tpu.memory_space<vmem>>, %arg8: memref<1024x1xf32, #tpu.memory_space<vmem>>, %arg9: memref<1024x1xi32, #tpu.memory_space<vmem>>, %arg10: memref<1024x1xf32, #tpu.memory_space<vmem>>, %arg11: memref<1024x1xi32, #tpu.memory_space<vmem>>) attributes {dimension_semantics = [#tpu.dimension_semantics<arbitrary>, #tpu.dimension_semantics<arbitrary>], iteration_bounds = array<i64: 16, 8>, scalar_prefetch = 0 : i64, scratch_operands = 6 : i64, tpu.core_type = #tpu.core_type<tc>, window_params = [{transform_indices = @transform_0, window_bounds = array<i64: 1024, 256>}, {transform_indices = @transform_1, window_bounds = array<i64: 256, 1024>}, {transform_indices = @transform_2, window_bounds = array<i64: 1, 1024>}, {transform_indices = @transform_3, window_bounds = array<i64: 1024, 1>}]} {
    %eq3A = arith.constant 0 : i32
    %eq3A_0 = arith.cmpi eq, %arg1, %eq3A : i32
    %convert_element_type3A = arith.extui %eq3A_0 : i1 to i32
    %cond3A = arith.constant 0 : i32
    %cond3A_1 = arith.cmpi ne, %convert_element_type3A, %cond3A : i32
    scf.if %cond3A_1 {
      %get3A_87 = arith.constant 0 : index
      %get3A_88 = arith.constant 0 : index
      %get3A_89 = vector.load %arg2[%get3A_87, %get3A_88] : memref<1024x256xf32, #tpu.memory_space<vmem>>, vector<1024x256xf32>
      %mul3A_90 = arith.mulf %get3A_89, %get3A_89 : vector<1024x256xf32>
      %reduce_sum3A = arith.constant dense<0.000000e+00> : vector<1024xf32>
      %reduce_sum3A_91 = vector.multi_reduction <add>, %mul3A_90, %reduce_sum3A [1] : vector<1024x256xf32> to vector<1024xf32>
      %broadcast_in_dim3A_92 = vector.shape_cast %reduce_sum3A_91 : vector<1024xf32> to vector<1024x1xf32>
      %swap3A_93 = arith.constant 0 : index
      %swap3A_94 = arith.constant 0 : index
      %swap3A_95 = vector.load %arg6[%swap3A_93, %swap3A_94] : memref<1024x1xf32, #tpu.memory_space<vmem>>, vector<1024x1xf32>
      tpu.vector_store %arg6[%swap3A_93, %swap3A_94], %broadcast_in_dim3A_92 {strides = array<i32>} : memref<1024x1xf32, #tpu.memory_space<vmem>>, vector<1024x1xf32>,
      %mul3A_96 = arith.constant -2.000000e+00 : f32
      %mul3A_97 = vector.broadcast %mul3A_96 : f32 to vector<1024x256xf32>
      %mul3A_98 = arith.mulf %mul3A_97, %get3A_89 : vector<1024x256xf32>
      %convert_element_type3A_99 = arith.truncf %mul3A_98 : vector<1024x256xf32> to vector<1024x256xbf16>
      %swap3A_100 = arith.constant 0 : index
      %swap3A_101 = arith.constant 0 : index
      %swap3A_102 = vector.load %arg7[%swap3A_100, %swap3A_101] : memref<1024x256xbf16, #tpu.memory_space<vmem>>, vector<1024x256xbf16>
      tpu.vector_store %arg7[%swap3A_100, %swap3A_101], %convert_element_type3A_99 {strides = array<i32>} : memref<1024x256xbf16, #tpu.memory_space<vmem>>, vector<1024x256xbf16>,
      %broadcast_in_dim3A_103 = arith.constant 0x7F800000 : f32
      %broadcast_in_dim3A_104 = vector.broadcast %broadcast_in_dim3A_103 : f32 to vector<1024x1xf32>
      %swap3A_105 = arith.constant 0 : index
      %swap3A_106 = arith.constant 0 : index
      %swap3A_107 = vector.load %arg10[%swap3A_105, %swap3A_106] : memref<1024x1xf32, #tpu.memory_space<vmem>>, vector<1024x1xf32>
      tpu.vector_store %arg10[%swap3A_105, %swap3A_106], %broadcast_in_dim3A_104 {strides = array<i32>} : memref<1024x1xf32, #tpu.memory_space<vmem>>, vector<1024x1xf32>,
      %broadcast_in_dim3A_108 = arith.constant 0 : i32
      %broadcast_in_dim3A_109 = vector.broadcast %broadcast_in_dim3A_108 : i32 to vector<1024x1xi32>
      %swap3A_110 = arith.constant 0 : index
      %swap3A_111 = arith.constant 0 : index
      %swap3A_112 = vector.load %arg11[%swap3A_110, %swap3A_111] : memref<1024x1xi32, #tpu.memory_space<vmem>>, vector<1024x1xi32>
      tpu.vector_store %arg11[%swap3A_110, %swap3A_111], %broadcast_in_dim3A_109 {strides = array<i32>} : memref<1024x1xi32, #tpu.memory_space<vmem>>, vector<1024x1xi32>,
    } else {
    }
    %jit3A = arith.constant 4 : i32
    %eq3A_2 = arith.constant 0 : i32
    %eq3A_3 = arith.cmpi eq, %jit3A, %eq3A_2 : i32
    %jit3A_4 = arith.constant 1 : i32
    %select_n3A = arith.select %eq3A_3, %jit3A_4, %jit3A : i32
    %rem3A = arith.remsi %arg1, %select_n3A : i32
    %ne3A = arith.constant 0 : i32
    %ne3A_5 = arith.cmpi ne, %rem3A, %ne3A : i32
    %lt3A = arith.constant 0 : i32
    %lt3A_6 = arith.cmpi slt, %rem3A, %lt3A : i32
    %lt3A_7 = arith.constant 0 : i32
    %lt3A_8 = arith.cmpi slt, %select_n3A, %lt3A_7 : i32
    %ne3A_9 = arith.xori %lt3A_6, %lt3A_8 : i1
    %and3A = arith.andi %ne3A_9, %ne3A_5 : i1
    %add3A = arith.addi %rem3A, %select_n3A : i32
    %select_n3A_10 = arith.select %and3A, %add3A, %rem3A : i32
    %eq3A_11 = arith.constant 0 : i32
    %eq3A_12 = arith.cmpi eq, %select_n3A_10, %eq3A_11 : i32
    %convert_element_type3A_13 = arith.extui %eq3A_12 : i1 to i32
    %cond3A_14 = arith.constant 0 : i32
    %cond3A_15 = arith.cmpi ne, %convert_element_type3A_13, %cond3A_14 : i32
    scf.if %cond3A_15 {
      %broadcast_in_dim3A_87 = arith.constant 0x7F800000 : f32
      %broadcast_in_dim3A_88 = vector.broadcast %broadcast_in_dim3A_87 : f32 to vector<1024x1xf32>
      %swap3A_89 = arith.constant 0 : index
      %swap3A_90 = arith.constant 0 : index
      %swap3A_91 = vector.load %arg8[%swap3A_89, %swap3A_90] : memref<1024x1xf32, #tpu.memory_space<vmem>>, vector<1024x1xf32>
      tpu.vector_store %arg8[%swap3A_89, %swap3A_90], %broadcast_in_dim3A_88 {strides = array<i32>} : memref<1024x1xf32, #tpu.memory_space<vmem>>, vector<1024x1xf32>,
      %broadcast_in_dim3A_92 = arith.constant 0 : i32
      %broadcast_in_dim3A_93 = vector.broadcast %broadcast_in_dim3A_92 : i32 to vector<1024x1xi32>
      %swap3A_94 = arith.constant 0 : index
      %swap3A_95 = arith.constant 0 : index
      %swap3A_96 = vector.load %arg9[%swap3A_94, %swap3A_95] : memref<1024x1xi32, #tpu.memory_space<vmem>>, vector<1024x1xi32>
      tpu.vector_store %arg9[%swap3A_94, %swap3A_95], %broadcast_in_dim3A_93 {strides = array<i32>} : memref<1024x1xi32, #tpu.memory_space<vmem>>, vector<1024x1xi32>,
    } else {
    }
    %get3A = arith.constant 0 : index
    %get3A_16 = arith.constant 0 : index
    %get3A_17 = vector.load %arg7[%get3A, %get3A_16] : memref<1024x256xbf16, #tpu.memory_space<vmem>>, vector<1024x256xbf16>
    %get3A_18 = arith.constant 0 : index
    %get3A_19 = arith.constant 0 : index
    %get3A_20 = vector.load %arg3[%get3A_18, %get3A_19] : memref<256x1024xbf16, #tpu.memory_space<vmem>>, vector<256x1024xbf16>
    %dot_general3A = arith.constant dense<0.000000e+00> : vector<1024x1024xf32>
    %dot_general3A_21 = tpu.matmul %get3A_17, %get3A_20, %dot_general3A {dimension_numbers = #tpu.dot_dimension_numbers<[1], [0], [0], [1], [0, 0, 1, 1], [], []>, transpose_lhs_hint = false} : vector<1024x256xbf16>, vector<256x1024xbf16>, vector<1024x1024xf32> -> vector<1024x1024xf32>
    %get3A_22 = arith.constant 0 : index
    %get3A_23 = arith.constant 0 : index
    %get3A_24 = vector.load %arg6[%get3A_22, %get3A_23] : memref<1024x1xf32, #tpu.memory_space<vmem>>, vector<1024x1xf32>
    %add3A_25 = vector.broadcast %get3A_24 : vector<1024x1xf32> to vector<1024x1024xf32>
    %add3A_26 = arith.addf %add3A_25, %dot_general3A_21 : vector<1024x1024xf32>
    %get3A_27 = arith.constant 0 : index
    %get3A_28 = arith.constant 0 : index
    %get3A_29 = vector.load %arg4[%get3A_27, %get3A_28] : memref<1x1024xf32, #tpu.memory_space<vmem>>, vector<1x1024xf32>
    %add3A_30 = vector.broadcast %get3A_29 : vector<1x1024xf32> to vector<1024x1024xf32>
    %add3A_31 = arith.addf %add3A_26, %add3A_30 : vector<1024x1024xf32>
    %reduce_min3A = arith.constant dense<0x7F800000> : vector<1024xf32>
    %reduce_min3A_32 = vector.multi_reduction <minimumf>, %add3A_31, %reduce_min3A [1] : vector<1024x1024xf32> to vector<1024xf32>
    %broadcast_in_dim3A = vector.shape_cast %reduce_min3A_32 : vector<1024xf32> to vector<1024x1xf32>
    %iota3A = tpu.iota {dimensions = array<i32: 1>} : vector<1024x1024xi32>
    %eq3A_33 = vector.broadcast %broadcast_in_dim3A : vector<1024x1xf32> to vector<1024x1024xf32>
    %eq3A_34 = arith.cmpf oeq, %add3A_31, %eq3A_33 : vector<1024x1024xf32>
    %jit3A_35 = arith.constant 8192 : i32
    %broadcast_in_dim3A_36 = vector.broadcast %jit3A_35 : i32 to vector<1024x1024xi32>
    %select_n3A_37 = arith.select %eq3A_34, %iota3A, %broadcast_in_dim3A_36 : vector<1024x1024xi1>, vector<1024x1024xi32>
    %reduce_min3A_38 = arith.constant dense<2147483647> : vector<1024xi32>
    %reduce_min3A_39 = vector.multi_reduction <minsi>, %select_n3A_37, %reduce_min3A_38 [1] : vector<1024x1024xi32> to vector<1024xi32>
    %broadcast_in_dim3A_40 = vector.shape_cast %reduce_min3A_39 : vector<1024xi32> to vector<1024x1xi32>
    %mul3A = arith.constant 1024 : i32
    %mul3A_41 = arith.muli %arg1, %mul3A : i32
    %add3A_42 = vector.broadcast %mul3A_41 : i32 to vector<1024x1xi32>
    %add3A_43 = arith.addi %broadcast_in_dim3A_40, %add3A_42 : vector<1024x1xi32>
    %get3A_44 = arith.constant 0 : index
    %get3A_45 = arith.constant 0 : index
    %get3A_46 = vector.load %arg8[%get3A_44, %get3A_45] : memref<1024x1xf32, #tpu.memory_space<vmem>>, vector<1024x1xf32>
    %lt3A_47 = arith.cmpf olt, %broadcast_in_dim3A, %get3A_46 : vector<1024x1xf32>
    %get3A_48 = arith.constant 0 : index
    %get3A_49 = arith.constant 0 : index
    %get3A_50 = vector.load %arg8[%get3A_48, %get3A_49] : memref<1024x1xf32, #tpu.memory_space<vmem>>, vector<1024x1xf32>
    %select_n3A_51 = arith.select %lt3A_47, %broadcast_in_dim3A, %get3A_50 : vector<1024x1xi1>, vector<1024x1xf32>
    %swap3A = arith.constant 0 : index
    %swap3A_52 = arith.constant 0 : index
    %swap3A_53 = vector.load %arg8[%swap3A, %swap3A_52] : memref<1024x1xf32, #tpu.memory_space<vmem>>, vector<1024x1xf32>
    tpu.vector_store %arg8[%swap3A, %swap3A_52], %select_n3A_51 {strides = array<i32>} : memref<1024x1xf32, #tpu.memory_space<vmem>>, vector<1024x1xf32>,
    %get3A_54 = arith.constant 0 : index
    %get3A_55 = arith.constant 0 : index
    %get3A_56 = vector.load %arg9[%get3A_54, %get3A_55] : memref<1024x1xi32, #tpu.memory_space<vmem>>, vector<1024x1xi32>
    %select_n3A_57 = arith.select %lt3A_47, %add3A_43, %get3A_56 : vector<1024x1xi1>, vector<1024x1xi32>
    %swap3A_58 = arith.constant 0 : index
    %swap3A_59 = arith.constant 0 : index
    %swap3A_60 = vector.load %arg9[%swap3A_58, %swap3A_59] : memref<1024x1xi32, #tpu.memory_space<vmem>>, vector<1024x1xi32>
    tpu.vector_store %arg9[%swap3A_58, %swap3A_59], %select_n3A_57 {strides = array<i32>} : memref<1024x1xi32, #tpu.memory_space<vmem>>, vector<1024x1xi32>,
    %jit3A_61 = arith.constant 4 : i32
    %eq3A_62 = arith.constant 0 : i32
    %eq3A_63 = arith.cmpi eq, %jit3A_61, %eq3A_62 : i32
    %jit3A_64 = arith.constant 1 : i32
    %select_n3A_65 = arith.select %eq3A_63, %jit3A_64, %jit3A_61 : i32
    %rem3A_66 = arith.remsi %arg1, %select_n3A_65 : i32
    %ne3A_67 = arith.constant 0 : i32
    %ne3A_68 = arith.cmpi ne, %rem3A_66, %ne3A_67 : i32
    %lt3A_69 = arith.constant 0 : i32
    %lt3A_70 = arith.cmpi slt, %rem3A_66, %lt3A_69 : i32
    %lt3A_71 = arith.constant 0 : i32
    %lt3A_72 = arith.cmpi slt, %select_n3A_65, %lt3A_71 : i32
    %ne3A_73 = arith.xori %lt3A_70, %lt3A_72 : i1
    %and3A_74 = arith.andi %ne3A_73, %ne3A_68 : i1
    %add3A_75 = arith.addi %rem3A_66, %select_n3A_65 : i32
    %select_n3A_76 = arith.select %and3A_74, %add3A_75, %rem3A_66 : i32
    %eq3A_77 = arith.constant 3 : i32
    %eq3A_78 = arith.cmpi eq, %select_n3A_76, %eq3A_77 : i32
    %convert_element_type3A_79 = arith.extui %eq3A_78 : i1 to i32
    %cond3A_80 = arith.constant 0 : i32
    %cond3A_81 = arith.cmpi ne, %convert_element_type3A_79, %cond3A_80 : i32
    scf.if %cond3A_81 {
      %get3A_87 = arith.constant 0 : index
      %get3A_88 = arith.constant 0 : index
      %get3A_89 = vector.load %arg8[%get3A_87, %get3A_88] : memref<1024x1xf32, #tpu.memory_space<vmem>>, vector<1024x1xf32>
      %get3A_90 = arith.constant 0 : index
      %get3A_91 = arith.constant 0 : index
      %get3A_92 = vector.load %arg10[%get3A_90, %get3A_91] : memref<1024x1xf32, #tpu.memory_space<vmem>>, vector<1024x1xf32>
      %lt3A_93 = arith.cmpf olt, %get3A_89, %get3A_92 : vector<1024x1xf32>
      %get3A_94 = arith.constant 0 : index
      %get3A_95 = arith.constant 0 : index
      %get3A_96 = vector.load %arg8[%get3A_94, %get3A_95] : memref<1024x1xf32, #tpu.memory_space<vmem>>, vector<1024x1xf32>
      %get3A_97 = arith.constant 0 : index
      %get3A_98 = arith.constant 0 : index
      %get3A_99 = vector.load %arg10[%get3A_97, %get3A_98] : memref<1024x1xf32, #tpu.memory_space<vmem>>, vector<1024x1xf32>
      %select_n3A_100 = arith.select %lt3A_93, %get3A_96, %get3A_99 : vector<1024x1xi1>, vector<1024x1xf32>
      %convert_element_type3A_101 = arith.truncf %select_n3A_100 : vector<1024x1xf32> to vector<1024x1xbf16>
      %convert_element_type3A_102 = arith.extf %convert_element_type3A_101 : vector<1024x1xbf16> to vector<1024x1xf32>
      %swap3A_103 = arith.constant 0 : index
      %swap3A_104 = arith.constant 0 : index
      %swap3A_105 = vector.load %arg10[%swap3A_103, %swap3A_104] : memref<1024x1xf32, #tpu.memory_space<vmem>>, vector<1024x1xf32>
      tpu.vector_store %arg10[%swap3A_103, %swap3A_104], %convert_element_type3A_102 {strides = array<i32>} : memref<1024x1xf32, #tpu.memory_space<vmem>>, vector<1024x1xf32>,
      %get3A_106 = arith.constant 0 : index
      %get3A_107 = arith.constant 0 : index
      %get3A_108 = vector.load %arg9[%get3A_106, %get3A_107] : memref<1024x1xi32, #tpu.memory_space<vmem>>, vector<1024x1xi32>
      %get3A_109 = arith.constant 0 : index
      %get3A_110 = arith.constant 0 : index
      %get3A_111 = vector.load %arg11[%get3A_109, %get3A_110] : memref<1024x1xi32, #tpu.memory_space<vmem>>, vector<1024x1xi32>
      %select_n3A_112 = arith.select %lt3A_93, %get3A_108, %get3A_111 : vector<1024x1xi1>, vector<1024x1xi32>
      %swap3A_113 = arith.constant 0 : index
      %swap3A_114 = arith.constant 0 : index
      %swap3A_115 = vector.load %arg11[%swap3A_113, %swap3A_114] : memref<1024x1xi32, #tpu.memory_space<vmem>>, vector<1024x1xi32>
      tpu.vector_store %arg11[%swap3A_113, %swap3A_114], %select_n3A_112 {strides = array<i32>} : memref<1024x1xi32, #tpu.memory_space<vmem>>, vector<1024x1xi32>,
    } else {
    }
    %eq3A_82 = arith.constant 7 : i32
    %eq3A_83 = arith.cmpi eq, %arg1, %eq3A_82 : i32
    %convert_element_type3A_84 = arith.extui %eq3A_83 : i1 to i32
    %cond3A_85 = arith.constant 0 : i32
    %cond3A_86 = arith.cmpi ne, %convert_element_type3A_84, %cond3A_85 : i32
    scf.if %cond3A_86 {
      %get3A_87 = arith.constant 0 : index
      %get3A_88 = arith.constant 0 : index
      %get3A_89 = vector.load %arg11[%get3A_87, %get3A_88] : memref<1024x1xi32, #tpu.memory_space<vmem>>, vector<1024x1xi32>
      %swap3A_90 = arith.constant 0 : index
      %swap3A_91 = arith.constant 0 : index
      %swap3A_92 = vector.load %arg5[%swap3A_90, %swap3A_91] : memref<1024x1xi32, #tpu.memory_space<vmem>>, vector<1024x1xi32>
      tpu.vector_store %arg5[%swap3A_90, %swap3A_91], %get3A_89 {strides = array<i32>} : memref<1024x1xi32, #tpu.memory_space<vmem>>, vector<1024x1xi32>,
    } else {
    }
    return
  }
  func.func @transform_0(%arg0: i32, %arg1: i32) -> (i32, i32) {
    %c0_i32 = arith.constant 0 : i32
    %c0_i32_0 = arith.constant 0 : i32
    return %arg0, %c0_i32 : i32, i32
  }
  func.func @transform_1(%arg0: i32, %arg1: i32) -> (i32, i32) {
    %c0_i32 = arith.constant 0 : i32
    %c0_i32_0 = arith.constant 0 : i32
    return %c0_i32, %arg1 : i32, i32
  }
  func.func @transform_2(%arg0: i32, %arg1: i32) -> (i32, i32) {
    %c0_i32 = arith.constant 0 : i32
    %c0_i32_0 = arith.constant 0 : i32
    return %c0_i32, %arg1 : i32, i32
  }
  func.func @transform_3(%arg0: i32, %arg1: i32) -> (i32, i32) {
    %c0_i32 = arith.constant 0 : i32
    %c0_i32_0 = arith.constant 0 : i32
    return %arg0, %c0_i32 : i32, i32
  }
}

module attributes {stable_mosaic.version = 14 : i64} {
  func.func @_tc_gather_body(%arg0: i32, %arg1: memref<1024xi32, #tpu.memory_space<smem>>, %arg2: memref<8192x256xf32, #tpu.memory_space<vmem>>, %arg3: memref<1024x256xf32, #tpu.memory_space<vmem>>) attributes {dimension_semantics = [#tpu.dimension_semantics<arbitrary>], iteration_bounds = array<i64: 12>, scalar_prefetch = 0 : i64, scratch_operands = 0 : i64, tpu.core_type = #tpu.core_type<tc>, window_params = [{transform_indices = @transform_0, window_bounds = array<i64: 1024>}, {pipeline_mode = #tpu.pipeline_mode<synchronous>, transform_indices = @transform_1, window_bounds = array<i64: 8192, 256>}, {transform_indices = @transform_2, window_bounds = array<i64: 1024, 256>}]} {
    %scan3A = arith.constant 0 : i32
    %scan3A_0 = arith.constant 128 : i32
    %scan3A_1 = arith.addi %scan3A, %scan3A_0 : i32
    %scan3A_2 = arith.constant 1 : i32
    scf.for %scan3A_4 = %scan3A to %scan3A_1 step %scan3A_2  : i32 {
      %mul3A = arith.constant 8 : i32
      %mul3A_5 = arith.muli %scan3A_4, %mul3A : i32
      %add3A = arith.constant 0 : i32
      %add3A_6 = arith.addi %mul3A_5, %add3A : i32
      %get3A = arith.index_cast %add3A_6 : i32 to index
      %get3A_7 = memref.load %arg1[%get3A] : memref<1024xi32, #tpu.memory_space<smem>>
      %get3A_8 = arith.index_cast %get3A_7 : i32 to index
      %get3A_9 = arith.constant 0 : index
      %get3A_10 = vector.load %arg2[%get3A_8, %get3A_9] : memref<8192x256xf32, #tpu.memory_space<vmem>>, vector<1x256xf32>
      %add3A_11 = arith.constant 1 : i32
      %add3A_12 = arith.addi %mul3A_5, %add3A_11 : i32
      %get3A_13 = arith.index_cast %add3A_12 : i32 to index
      %get3A_14 = memref.load %arg1[%get3A_13] : memref<1024xi32, #tpu.memory_space<smem>>
      %get3A_15 = arith.index_cast %get3A_14 : i32 to index
      %get3A_16 = arith.constant 0 : index
      %get3A_17 = vector.load %arg2[%get3A_15, %get3A_16] : memref<8192x256xf32, #tpu.memory_space<vmem>>, vector<1x256xf32>
      %add3A_18 = arith.constant 2 : i32
      %add3A_19 = arith.addi %mul3A_5, %add3A_18 : i32
      %get3A_20 = arith.index_cast %add3A_19 : i32 to index
      %get3A_21 = memref.load %arg1[%get3A_20] : memref<1024xi32, #tpu.memory_space<smem>>
      %get3A_22 = arith.index_cast %get3A_21 : i32 to index
      %get3A_23 = arith.constant 0 : index
      %get3A_24 = vector.load %arg2[%get3A_22, %get3A_23] : memref<8192x256xf32, #tpu.memory_space<vmem>>, vector<1x256xf32>
      %add3A_25 = arith.constant 3 : i32
      %add3A_26 = arith.addi %mul3A_5, %add3A_25 : i32
      %get3A_27 = arith.index_cast %add3A_26 : i32 to index
      %get3A_28 = memref.load %arg1[%get3A_27] : memref<1024xi32, #tpu.memory_space<smem>>
      %get3A_29 = arith.index_cast %get3A_28 : i32 to index
      %get3A_30 = arith.constant 0 : index
      %get3A_31 = vector.load %arg2[%get3A_29, %get3A_30] : memref<8192x256xf32, #tpu.memory_space<vmem>>, vector<1x256xf32>
      %add3A_32 = arith.constant 4 : i32
      %add3A_33 = arith.addi %mul3A_5, %add3A_32 : i32
      %get3A_34 = arith.index_cast %add3A_33 : i32 to index
      %get3A_35 = memref.load %arg1[%get3A_34] : memref<1024xi32, #tpu.memory_space<smem>>
      %get3A_36 = arith.index_cast %get3A_35 : i32 to index
      %get3A_37 = arith.constant 0 : index
      %get3A_38 = vector.load %arg2[%get3A_36, %get3A_37] : memref<8192x256xf32, #tpu.memory_space<vmem>>, vector<1x256xf32>
      %add3A_39 = arith.constant 5 : i32
      %add3A_40 = arith.addi %mul3A_5, %add3A_39 : i32
      %get3A_41 = arith.index_cast %add3A_40 : i32 to index
      %get3A_42 = memref.load %arg1[%get3A_41] : memref<1024xi32, #tpu.memory_space<smem>>
      %get3A_43 = arith.index_cast %get3A_42 : i32 to index
      %get3A_44 = arith.constant 0 : index
      %get3A_45 = vector.load %arg2[%get3A_43, %get3A_44] : memref<8192x256xf32, #tpu.memory_space<vmem>>, vector<1x256xf32>
      %add3A_46 = arith.constant 6 : i32
      %add3A_47 = arith.addi %mul3A_5, %add3A_46 : i32
      %get3A_48 = arith.index_cast %add3A_47 : i32 to index
      %get3A_49 = memref.load %arg1[%get3A_48] : memref<1024xi32, #tpu.memory_space<smem>>
      %get3A_50 = arith.index_cast %get3A_49 : i32 to index
      %get3A_51 = arith.constant 0 : index
      %get3A_52 = vector.load %arg2[%get3A_50, %get3A_51] : memref<8192x256xf32, #tpu.memory_space<vmem>>, vector<1x256xf32>
      %add3A_53 = arith.constant 7 : i32
      %add3A_54 = arith.addi %mul3A_5, %add3A_53 : i32
      %get3A_55 = arith.index_cast %add3A_54 : i32 to index
      %get3A_56 = memref.load %arg1[%get3A_55] : memref<1024xi32, #tpu.memory_space<smem>>
      %get3A_57 = arith.index_cast %get3A_56 : i32 to index
      %get3A_58 = arith.constant 0 : index
      %get3A_59 = vector.load %arg2[%get3A_57, %get3A_58] : memref<8192x256xf32, #tpu.memory_space<vmem>>, vector<1x256xf32>
      %concatenate3A = tpu.concatenate %get3A_10, %get3A_17, %get3A_24, %get3A_31, %get3A_38, %get3A_45, %get3A_52, %get3A_59 in 0 : vector<1x256xf32>, vector<1x256xf32>, vector<1x256xf32>, vector<1x256xf32>, vector<1x256xf32>, vector<1x256xf32>, vector<1x256xf32>, vector<1x256xf32> -> vector<8x256xf32>
      %swap3A = arith.index_cast %mul3A_5 : i32 to index
      %swap3A_60 = arith.constant 0 : index
      %swap3A_61 = vector.load %arg3[%swap3A, %swap3A_60] : memref<1024x256xf32, #tpu.memory_space<vmem>>, vector<8x256xf32>
      tpu.vector_store %arg3[%swap3A, %swap3A_60], %concatenate3A {strides = array<i32>} : memref<1024x256xf32, #tpu.memory_space<vmem>>, vector<8x256xf32>,
    }
    %scan3A_3 = arith.constant 128 : i32
    return
  }
  func.func @transform_0(%arg0: i32) -> i32 {
    %c0_i32 = arith.constant 0 : i32
    return %arg0 : i32
  }
  func.func @transform_1(%arg0: i32) -> (i32, i32) {
    %c0_i32 = arith.constant 0 : i32
    %c0_i32_0 = arith.constant 0 : i32
    %c0_i32_1 = arith.constant 0 : i32
    return %c0_i32, %c0_i32_0 : i32, i32
  }
  func.func @transform_2(%arg0: i32) -> (i32, i32) {
    %c0_i32 = arith.constant 0 : i32
    %c0_i32_0 = arith.constant 0 : i32
    return %arg0, %c0_i32 : i32, i32
  }
}

</mosaic_0001>

<sc_bundles>
// kernel: kernel.7.cloned.1.call-start
scs
__scs_entry_jumppad:
0x0: {  	(pc) =	sbr.rel $0x88, $3  }
0x1: {  	(tag) =	ssettag $0x0;
	lr =	simm.s32 $0x1  }
0x2: {  	[smem:$0x3F9B] =	sst lr;
	_ =	strace $0xD0000000  }
0x3: {  	_ = 	snop  }
0x4: {  	_ = 	snop  }
0x5: {  	_ = 	snop  }
0x6: {  	_ = 	snop  }
0x7: {  	_ = 	snop  }
__scs_overlays_trampoline_lowered:
0x8: {  	[smem:$0x3FAA] =	sst s0  }
0x9: {  	[smem:$0x3FAB] =	sst s1  }
0xa: {  	[smem:$0x3FAC] =	sst s2  }
0xb: {  	[smem:$0x3FAD] =	sst s3  }
0xc: {  	[smem:$0x3FAE] =	sst s4  }
0xd: {  	[smem:$0x3FAF] =	sst s5  }
0xe: {  	[smem:$0x3FB0] =	sst s6  }
0xf: {  	[smem:$0x3FB1] =	sst s7  }
0x10: {  	[smem:$0x3FB2] =	sst s8  }
0x11: {  	[smem:$0x3FB3] =	sst s9;
	s0 =	simm.s32 @!p0 $0x0  }
0x12: {  	s1 =	sld [smem:$0x3F99];
	s0 =	simm.s32 @p0 $0x1  }
0x13: {  	[smem:$0x3FB4] =	sst s0;
	s0 =	simm.s32 @!p1 $0x0  }
0x14: {  	s2 =	sld [smem:$0x3F98];
	s0 =	simm.s32 @p1 $0x1  }
0x15: {  	[smem:$0x3FB5] =	sst s0;
	s0 =	simm.s32 @!p2 $0x0  }
0x16: {  	s3 =	sld [smem:$0x3FDB];
	s0 =	simm.s32 @p2 $0x1  }
0x17: {  	s4 =	simm.s32 $0x1BF5;
	[smem:$0x3FB7] =	sst s0  }
0x18: {  	s0 =	sld [smem:$0x3F9A];
	_ =	swait.ge [sflag:s4], $0x0  }
0x19: {  	s7 =	sld [smem:$0x3F9B]  }
0x1a: {  	s8 =	sadd.s32 $0xFFFFE003, lr  }
0x1b: {  	s9 =	sadd.s32 $0xFFFFFEF7, lr;
	s5 =	simm.s32 $0xFFFFFFFF;
	p2 =	slt.u32 s8, $0xFFFFF086  }
0x1c: {  	p1 =	slt.u32 s9, $0xF7A;
	s5 =	simm.s32 @!p2 $0x0  }
0x1d: {  	s5 =	simm.s32 @p1 $0x1;
	p0 =	seq.s32 s7, s2  }
0x1e: {  	s7 =	smul.u32 @!p0 $0xF7A, s2;
	p2 =	seq.s32 @!p0 s5, $0x0  }
0x1f: {  	s9 =	smul.u32 $0xF7A, s1;
	s8 =	simm.s32 @!p0 $0x1BF5;
	p2 =	por !p2, p0  }
0x20: {  	[sflag:s8] =	ssyncset.s32 @!p0 $0xFFFFF086;
	s6 =	sadd.s32 @!p0 s3, s7;
	s7 =	simm.s32 @!p0 $0x108  }
0x21: {  	s3 =	sadd.s32 s3, s9;
	s6 =	sadd.s32 @!p0 $0x88, s6;
	s7 =	simm.s32 @p2 $0x1082  }
0x22: {  	[simem:s7], [sflag:s8] =	dma.local @!p0 [hbm:s6], $0xF7A  }
0x23: {  	s9 =	sor.u32 $0xD0000000, s2;
	s6 =	simm.s32 $0x108;
	_ =	swait.ge @!p0 [sflag:s8], $0x0  }
0x24: {  	s3 =	sadd.s32 $0x88, s3;
	s6 =	simm.s32 @!p1 $0x1082;
	[sflag:s4] =	ssyncset.s32 $0xFFFFF086  }
0x25: {  	[simem:s6], [sflag:s4] =	dma.local [hbm:s3], $0xF7A  }
0x26: {  	[smem:$0x3F9B] =	sst s1;
	(tag) =	ssettag s2;
	_ =	strace s9  }
0x27: {  	s1 =	sld [smem:$0x3FAB]  }
0x28: {  	s2 =	sld [smem:$0x3FAC]  }
0x29: {  	s4 =	sld [smem:$0x3FAE]  }
0x2a: {  	p0 =	seq.s32 s5, $0x0;
	s5 =	sld [smem:$0x3FAF]  }
0x2b: {  	s6 =	sld [smem:$0x3FB0]  }
0x2c: {  	s7 =	sld [smem:$0x3FB1]  }
0x2d: {  	s3 =	simm.s32 $0x108;
	s8 =	sld [smem:$0x3FB2]  }
0x2e: {  	s3 =	simm.s32 @!p0 $0x1082;
	s9 =	sld [smem:$0x3FB3]  }
0x2f: {  	lr =	sadd.s32 s0, s3;
	s0 =	sld [smem:$0x3FAA]  }
0x30: {  	s3 =	sld [smem:$0x3FAD]  }
0x31: {  	[smem:$0x3FB6] =	sst s10  }
0x32: {  	s10 =	sld [smem:$0x3FB4];
	_ =	sdelay $0x3  }
0x33: {  	p0 =	seq.s32 s10, $0x1;
	s10 =	sld [smem:$0x3FB6];
	_ =	sdelay $0x3  }
0x34: {  	[smem:$0x3FB6] =	sst s10  }
0x35: {  	s10 =	sld [smem:$0x3FB5];
	_ =	sdelay $0x3  }
0x36: {  	p1 =	seq.s32 s10, $0x1;
	s10 =	sld [smem:$0x3FB6];
	_ =	sdelay $0x3  }
0x37: {  	[smem:$0x3FB6] =	sst s10  }
0x38: {  	s10 =	sld [smem:$0x3FB7]  }
0x39: {  	_ = 	snop;
	(pc) =	sbr.ind lr, $3  }
0x3a: {  	_ = 	snop  }
0x3b: {  	_ = 	snop  }
0x3c: {  	p2 =	seq.s32 s10, $0x1;
	s10 =	sld [smem:$0x3FB6]  }
0x3d: {  	_ =	shalt  }
0x3e: {  	_ =	shalt  }
0x3f: {  	_ =	shalt  }
0x40: {  	_ =	shalt  }
0x41: {  	_ =	shalt  }
0x42: {  	_ =	shalt  }
0x43: {  	_ =	shalt  }
0x44: {  	_ =	shalt  }
0x45: {  	_ =	shalt  }
0x46: {  	_ =	shalt  }
0x47: {  	_ =	shalt  }
0x48: {  	_ =	shalt  }
0x49: {  	_ =	shalt  }
0x4a: {  	_ =	shalt  }
0x4b: {  	_ =	shalt  }
0x4c: {  	_ =	shalt  }
0x4d: {  	_ =	shalt  }
0x4e: {  	_ =	shalt  }
0x4f: {  	_ =	shalt  }
0x50: {  	_ =	shalt  }
0x51: {  	_ =	shalt  }
0x52: {  	_ =	shalt  }
0x53: {  	_ =	shalt  }
0x54: {  	_ =	shalt  }
0x55: {  	_ =	shalt  }
0x56: {  	_ =	shalt  }
0x57: {  	_ =	shalt  }
0x58: {  	_ =	shalt  }
0x59: {  	_ =	shalt  }
0x5a: {  	_ =	shalt  }
0x5b: {  	_ =	shalt  }
0x5c: {  	_ =	shalt  }
0x5d: {  	_ =	shalt  }
0x5e: {  	_ =	shalt  }
0x5f: {  	_ =	shalt  }
0x60: {  	_ =	shalt  }
0x61: {  	_ =	shalt  }
0x62: {  	_ =	shalt  }
0x63: {  	_ =	shalt  }
0x64: {  	_ =	shalt  }
0x65: {  	_ =	shalt  }
0x66: {  	_ =	shalt  }
0x67: {  	_ =	shalt  }
0x68: {  	_ =	shalt  }
0x69: {  	_ =	shalt  }
0x6a: {  	_ =	shalt  }
0x6b: {  	_ =	shalt  }
0x6c: {  	_ =	shalt  }
0x6d: {  	_ =	shalt  }
0x6e: {  	_ =	shalt  }
0x6f: {  	_ =	shalt  }
0x70: {  	_ =	shalt  }
0x71: {  	_ =	shalt  }
0x72: {  	_ =	shalt  }
0x73: {  	_ =	shalt  }
0x74: {  	_ =	shalt  }
0x75: {  	_ =	shalt  }
0x76: {  	_ =	shalt  }
0x77: {  	_ =	shalt  }
0x78: {  	_ =	shalt  }
0x79: {  	_ =	shalt  }
0x7a: {  	_ =	shalt  }
0x7b: {  	_ =	shalt  }
0x7c: {  	_ =	shalt  }
0x7d: {  	_ =	shalt  }
0x7e: {  	_ =	shalt  }
0x7f: {  	_ =	shalt  }
0x80: {  	_ =	shalt  }
0x81: {  	_ =	shalt  }
0x82: {  	_ =	shalt  }
0x83: {  	_ =	shalt  }
0x84: {  	_ =	shalt  }
0x85: {  	_ =	shalt  }
0x86: {  	_ =	shalt  }
0x87: {  	_ =	shalt  }
.Lfunc_end0:
.L_simem_size_0:
called_computation_lowered:
.L_overlay_start_0:
0x88: {  	s2 =	sld [smem:$0x3FD9]  }
0x89: {  	s3 =	sld [smem:$0x3FFE];
	_ =	sdelay $0x1  }
0x8a: {  	s1 =	srdreg.scid  }
0x8b: {  	s0 =	sand.u32 $0x1, s1  }
0x8c: {  	s17 =	sshll.u32 s0, $0xA;
	s2 =	sadd.s32 s3, s2  }
0x8d: {  	s2 =	sadd.s32 s2, s17  }
0x8e: {  	[smem:$0x3FC2] =	sst s2  }
0x8f: {  	_ = 	snop  }
0x90: {  	s2 =	sld [smem:$0x3FC4];
	(tm) =	ssettm $0x1  }
0x91: {  	s18 =	sld [smem:$0x3FFB];
	_ =	sdelay $0x3  }
0x92: {  	_ =	strace s18  }
0x93: {  	s3 =	sld [smem:$0x3FFC];
	_ =	sdelay $0x3  }
0x94: {  	_ =	strace s3  }
0x95: {  	s3 =	sld [smem:$0x3FFD];
	_ =	sdelay $0x3  }
0x96: {  	_ =	strace s3  }
0x97: {  	_ =	strace $0x8FFFFFFF  }
0x98: {  	s19 =	sld [smem:$0x3FDB];
	_ =	sdelay $0x1  }
0x99: {  	s4 =	simm.s32 $_scs_section_size  }
0x9a: {  	s5 =	simm.s32 $_size__tile_overlayer_lowered;
	s6 =	simm.s32 $_tile_overlayer_lowered  }
0x9b: {  	s22 =	simm.s32 $0x1BFF;
	s21 =	sshll.u32 s6, $0x1;
	s3 =	sadd.s32 s4, s19  }
0x9c: {  	s7 =	simm.s32 $0x0;
	s20 =	sshll.u32 s5, $0x1;
	s5 =	sadd.s32 s21, s3  }
0x9d: {  	[timem:s7], [sflag:s22] =	dma.local [hbm:s5], s20  }
0x9e: {  	_ =	swait.ge [sflag:s22], s20  }
0x9f: {  	s4 =	ssub.s32 $0x0, s20;
	[sflag:s22] =	ssyncset.done $0x0  }
0xa0: {  	[sflag:s22] =	ssyncadd.s32 s4;
	_ =	sdelay $0x1  }
0xa1: {  	s23 =	simm.s32 $0x1B8B  }
0xa2: {  	_ =	swait.ge [sflag:s23], $0x1  }
0xa3: {  	[sflag:s23] =	ssyncset.done $0x0  }
0xa4: {  	s25 =	simm.s32 $0x1B8E;
	s24 =	sld [smem:$0x3FFE];
	[sflag:s23] =	ssyncadd.s32 $0xFFFFFFFF  }
0xa5: {  	s26 =	simm.s32 $execute0_lowered;
	[smem:$0x3FD2] =	sst s25  }
0xa6: {  	s5 =	sshll.u32 s26, $0x1;
	_ =	strace $0x80000046;
	[dreg:$0x1] =	wrdreg $0xFFFFFFFF  }
0xa7: {  	s28 =	simm.s32 $_size_execute0_lowered;
	s3 =	sadd.s32 s3, s5;
	[dreg:$0x0] =	wrdreg $0x0  }
0xa8: {  	s5 =	sshll.u32 s28, $0x1;
	[dreg:$0x2] =	wrdreg s3  }
0xa9: {  	[dreg:$0x3] =	wrdreg s5  }
0xaa: {  	[dreg:$0x4] =	wrdreg $0xC0  }
0xab: {  	_ =	task [dreg:s7], $0x5FFFF  }
0xac: {  	[dreg:$0x1] =	wrdreg $0xFFFFFFFF  }
0xad: {  	[dreg:$0x0] =	wrdreg $0x60  }
0xae: {  	[dreg:$0x2] =	wrdreg s2  }
0xaf: {  	[dreg:$0x3] =	wrdreg s24  }
0xb0: {  	[dreg:$0x4] =	wrdreg $0x9  }
0xb1: {  	_ =	task.clear_ibuf [dreg:s7], $0x5FFFF;
	_ =	strace $0x90000046  }
0xb2: {  	s29 =	simm.s32 $0x9;
	_ =	strace $0x80000048  }
0xb3: {  	_ =	swait.ge [sflag:s29], $0x1  }
0xb4: {  	[sflag:s29] =	ssyncadd.s32 $0xFFFFFFFF  }
0xb5: {  	_ =	strace $0x90000048  }
0xb6: {  	_ =	sfence  }
0xb7: {  	s30 =	sld [smem:$0x0];
	_ =	sdelay $0x2  }
0xb8: {  	s31 =	sshll.u32 s1, $0xD;
	s1 =	sshrl.u32 s1, $0x2  }
0xb9: {  	s3 =	sand.u32 $0x4000, s31;
	s1 =	sadd.s32 s1, s30  }
0xba: {  	s0 =	sor.u32 s3, s0;
	s1 =	sshll.u32 s1, $0x11  }
0xbb: {  	s0 =	sor.u32 s1, s0  }
0xbc: {  	s0 =	sadd.s32 $0x8F2B, s0  }
0xbd: {  	[sflag:s0] =	ssyncadd.remote.s32 $0x1  }
0xbe: {  	_ =	sfence.sel $0xFFFF  }
0xbf: {  	[dreg:$0x0] =	wrdreg $0xFFFFFFFF;
	(pc) =	sbr.abs _section_cstart, $3  }
0xc0: {  	[dreg:$0x1] =	wrdreg $0xFFFFFFFF  }
0xc1: {  	_ =	task.clear_ibuf [dreg:s7], $0x2FFFF;
	_ =	strace $0x9FFFFFFF  }
0xc2: {  	(tm) =	ssettm $0x7FFFFFFF  }
0xc3: {  	_ =	shalt  }
tec
execute0_lowered:
.L_overlay_start_1:
0x0: {  	(tag) =	ssettag $0x1  }
0x1: {  	s2 =	rddreg [dreg:$0x0]  }
0x2: {  	s4 =	rddreg [dreg:$0x1];
	s3 =	srdreg.scid  }
0x3: {  	s0 =	rddreg [dreg:$0x2];
	s1 =	stileid.u32  }
0x4: {  	s9 =	simm.s32 $0x880;
	s10 =	simm.s32 $0x1080;
	s11 =	simm.s32 $0x1880  }
0x5: {  	s12 =	simm.s32 $0x2080;
	s13 =	simm.s32 $0x2880;
	s14 =	simm.s32 $0x3080  }
0x6: {  	s15 =	simm.s32 $0x3880;
	s16 =	simm.s32 $0x4080;
	s17 =	simm.s32 $0x4880  }
0x7: {  	s18 =	simm.s32 $0x5080;
	s19 =	simm.s32 $0x5880;
	s20 =	simm.s32 $0x6080  }
0x8: {  	s21 =	simm.s32 $0x6880;
	s22 =	simm.s32 $0x7080;
	s23 =	simm.s32 $0x7880  }
0x9: {  	s24 =	simm.s32 $0x1;
	s25 =	simm.s32 $0x2;
	s5 =	sand.u32 $0x1, s3  }
0xa: {  	s3 =	simm.s32 $0x0;
	s6 =	sshll.u32 s1, $0x8;
	s7 =	sshll.u32 s5, $0x7  }
0xb: {  	[smem:$0x7FF] =	sst s3;
	s5 =	ssub.s32 $0x2, s5;
	s6 =	sor.u32 s7, s6  }
0xc: {  	_ =	strace $0x80000047;
	s7 =	sshrl.u32 s6, $0x3;
	s6 =	sshll.u32 s6, $0x5  }
0xd: {  	v2 =	vlaneseq.u32;
	s8 =	sshrl.u32 s5, $0x1;
	s7 =	sadd.s32 s7, s4;
	s6 =	sadd.s32 s6, s4  }
0xe: {  	vm0 =	vmmov $0xffff;
	v1 =	vshrl.u32 v2, $0x3;
	s8 =	ssub.s32 s5, s8;
	s4 =	sadd.s32 $0x1000, s7;
	s5 =	sadd.s32 $0x1200, s6  }
0xf: {  	v0 =	vand.u32 $0x7, v2;
	v2 =	vor.u32 $0x8, v2;
	v1 =	vmul.u32 $0x8, v1;
	s6 =	smax.u32 s8, $0x1;
	s7 =	simm.s32 $0x3;
	s8 =	simm.s32 $0x80  }
.LBB2_1:
0x10: {  	[tilespmem:s3], [sflag:$0x3] =	stream.linear.gather [hbm4b:s4+s3], $0x80, $0x38;
	[tilespmem:$0x8080] =	vst v63  }
0x11: {  	_ =	swait.ge [sflag:s7], $0x80  }
0x12: {  	[sflag:s7] =	ssyncset.done $0x0  }
0x13: {  	[sflag:s7] =	ssyncadd.s32 $0xFFFFFF80  }
0x14: {  	v3 =	vld [tilespmem:$0x0];
	_ =	sdelay $0x4  }
0x15: {  	v4 =	vshll.u32 v3, $0x1  }
0x16: {  	v3 =	vand.u32 $0x7, v3;
	v4 =	vand.u32 $0xFFFFFFF0, v4  }
0x17: {  	v3 =	vor.u32 v3, v4  }
0x18: {  	v4 =	vperm.xlane v3, v0;
	_ =	sdelay $0x1  }
0x19: {  	v3 =	vperm.xlane v3, v2;
	v4 =	vadd.s32 v1, v4;
	_ =	sdelay $0x1  }
0x1a: {  	v3 =	vadd.s32 v1, v3;
	_ =	sdelay $0x2  }
0x1b: {  	[tilespmem:s8], [sflag:$0x1] =	stream.indirect_vreg.gather [hbm4b:s2+s3], $0x80, v4, vm0, $0xb8;
	[tilespmem:$0x8080] =	vst v63  }
0x1c: {  	_ = 	snop  }
0x1d: {  	[tilespmem:s9], [sflag:$0x1] =	stream.indirect_vreg.gather [hbm4b:s2+s3], $0x80, v3, vm0, $0xb8;
	[tilespmem:$0x8080] =	vst v63  }
0x1e: {  	v3 =	vld [tilespmem:$0x10];
	_ =	sdelay $0x4  }
0x1f: {  	v57 =	vshll.u32 v3, $0x1  }
0x20: {  	v3 =	vand.u32 $0x7, v3;
	v4 =	vand.u32 $0xFFFFFFF0, v57  }
0x21: {  	v3 =	vor.u32 v3, v4  }
0x22: {  	v4 =	vperm.xlane v3, v0;
	_ =	sdelay $0x1  }
0x23: {  	v3 =	vperm.xlane v3, v2;
	v4 =	vadd.s32 v1, v4;
	_ =	sdelay $0x1  }
0x24: {  	v3 =	vadd.s32 v1, v3;
	_ =	sdelay $0x2  }
0x25: {  	[tilespmem:s10], [sflag:$0x1] =	stream.indirect_vreg.gather [hbm4b:s2+s3], $0x80, v4, vm0, $0xb8;
	[tilespmem:$0x8080] =	vst v63  }
0x26: {  	_ = 	snop  }
0x27: {  	[tilespmem:s11], [sflag:$0x1] =	stream.indirect_vreg.gather [hbm4b:s2+s3], $0x80, v3, vm0, $0xb8;
	[tilespmem:$0x8080] =	vst v63  }
0x28: {  	v3 =	vld [tilespmem:$0x20];
	_ =	sdelay $0x4  }
0x29: {  	v58 =	vshll.u32 v3, $0x1  }
0x2a: {  	v3 =	vand.u32 $0x7, v3;
	v4 =	vand.u32 $0xFFFFFFF0, v58  }
0x2b: {  	v3 =	vor.u32 v3, v4  }
0x2c: {  	v4 =	vperm.xlane v3, v0;
	_ =	sdelay $0x1  }
0x2d: {  	v3 =	vperm.xlane v3, v2;
	v4 =	vadd.s32 v1, v4;
	_ =	sdelay $0x1  }
0x2e: {  	v3 =	vadd.s32 v1, v3;
	_ =	sdelay $0x2  }
0x2f: {  	[tilespmem:s12], [sflag:$0x1] =	stream.indirect_vreg.gather [hbm4b:s2+s3], $0x80, v4, vm0, $0xb8;
	[tilespmem:$0x8080] =	vst v63  }
0x30: {  	_ = 	snop  }
0x31: {  	[tilespmem:s13], [sflag:$0x1] =	stream.indirect_vreg.gather [hbm4b:s2+s3], $0x80, v3, vm0, $0xb8;
	[tilespmem:$0x8080] =	vst v63  }
0x32: {  	v3 =	vld [tilespmem:$0x30];
	_ =	sdelay $0x4  }
0x33: {  	v59 =	vshll.u32 v3, $0x1  }
0x34: {  	v3 =	vand.u32 $0x7, v3;
	v4 =	vand.u32 $0xFFFFFFF0, v59  }
0x35: {  	v3 =	vor.u32 v3, v4  }
0x36: {  	v4 =	vperm.xlane v3, v0;
	_ =	sdelay $0x1  }
0x37: {  	v3 =	vperm.xlane v3, v2;
	v4 =	vadd.s32 v1, v4;
	_ =	sdelay $0x1  }
0x38: {  	v3 =	vadd.s32 v1, v3;
	_ =	sdelay $0x2  }
0x39: {  	[tilespmem:s14], [sflag:$0x1] =	stream.indirect_vreg.gather [hbm4b:s2+s3], $0x80, v4, vm0, $0xb8;
	[tilespmem:$0x8080] =	vst v63  }
0x3a: {  	_ = 	snop  }
0x3b: {  	[tilespmem:s15], [sflag:$0x1] =	stream.indirect_vreg.gather [hbm4b:s2+s3], $0x80, v3, vm0, $0xb8;
	[tilespmem:$0x8080] =	vst v63  }
0x3c: {  	v3 =	vld [tilespmem:$0x40];
	_ =	sdelay $0x4  }
0x3d: {  	v60 =	vshll.u32 v3, $0x1  }
0x3e: {  	v3 =	vand.u32 $0x7, v3;
	v4 =	vand.u32 $0xFFFFFFF0, v60  }
0x3f: {  	v3 =	vor.u32 v3, v4  }
0x40: {  	v4 =	vperm.xlane v3, v0;
	_ =	sdelay $0x1  }
0x41: {  	v3 =	vperm.xlane v3, v2;
	v4 =	vadd.s32 v1, v4;
	_ =	sdelay $0x1  }
0x42: {  	v3 =	vadd.s32 v1, v3;
	_ =	sdelay $0x2  }
0x43: {  	[tilespmem:s16], [sflag:$0x1] =	stream.indirect_vreg.gather [hbm4b:s2+s3], $0x80, v4, vm0, $0xb8;
	[tilespmem:$0x8080] =	vst v63  }
0x44: {  	_ = 	snop  }
0x45: {  	[tilespmem:s17], [sflag:$0x1] =	stream.indirect_vreg.gather [hbm4b:s2+s3], $0x80, v3, vm0, $0xb8;
	[tilespmem:$0x8080] =	vst v63  }
0x46: {  	v3 =	vld [tilespmem:$0x50];
	_ =	sdelay $0x4  }
0x47: {  	v61 =	vshll.u32 v3, $0x1  }
0x48: {  	v3 =	vand.u32 $0x7, v3;
	v4 =	vand.u32 $0xFFFFFFF0, v61  }
0x49: {  	v3 =	vor.u32 v3, v4  }
0x4a: {  	v4 =	vperm.xlane v3, v0;
	_ =	sdelay $0x1  }
0x4b: {  	v3 =	vperm.xlane v3, v2;
	v4 =	vadd.s32 v1, v4;
	_ =	sdelay $0x1  }
0x4c: {  	v3 =	vadd.s32 v1, v3;
	_ =	sdelay $0x2  }
0x4d: {  	[tilespmem:s18], [sflag:$0x1] =	stream.indirect_vreg.gather [hbm4b:s2+s3], $0x80, v4, vm0, $0xb8;
	[tilespmem:$0x8080] =	vst v63  }
0x4e: {  	_ = 	snop  }
0x4f: {  	[tilespmem:s19], [sflag:$0x1] =	stream.indirect_vreg.gather [hbm4b:s2+s3], $0x80, v3, vm0, $0xb8;
	[tilespmem:$0x8080] =	vst v63  }
0x50: {  	v3 =	vld [tilespmem:$0x60];
	_ =	sdelay $0x4  }
0x51: {  	v62 =	vshll.u32 v3, $0x1  }
0x52: {  	v3 =	vand.u32 $0x7, v3;
	v4 =	vand.u32 $0xFFFFFFF0, v62  }
0x53: {  	v3 =	vor.u32 v3, v4  }
0x54: {  	v4 =	vperm.xlane v3, v0;
	_ =	sdelay $0x1  }
0x55: {  	v3 =	vperm.xlane v3, v2;
	v4 =	vadd.s32 v1, v4;
	_ =	sdelay $0x1  }
0x56: {  	v3 =	vadd.s32 v1, v3;
	_ =	sdelay $0x2  }
0x57: {  	[tilespmem:s20], [sflag:$0x1] =	stream.indirect_vreg.gather [hbm4b:s2+s3], $0x80, v4, vm0, $0xb8;
	[tilespmem:$0x8080] =	vst v63  }
0x58: {  	_ = 	snop  }
0x59: {  	[tilespmem:s21], [sflag:$0x1] =	stream.indirect_vreg.gather [hbm4b:s2+s3], $0x80, v3, vm0, $0xb8;
	[tilespmem:$0x8080] =	vst v63  }
0x5a: {  	v3 =	vld [tilespmem:$0x70];
	_ =	sdelay $0x4  }
0x5b: {  	v63 =	vshll.u32 v3, $0x1  }
0x5c: {  	v3 =	vand.u32 $0x7, v3;
	v4 =	vand.u32 $0xFFFFFFF0, v63  }
0x5d: {  	v3 =	vor.u32 v3, v4  }
0x5e: {  	v4 =	vperm.xlane v3, v0;
	_ =	sdelay $0x1  }
0x5f: {  	v3 =	vperm.xlane v3, v2;
	v4 =	vadd.s32 v1, v4;
	_ =	sdelay $0x1  }
0x60: {  	v3 =	vadd.s32 v1, v3;
	_ =	sdelay $0x2  }
0x61: {  	[tilespmem:s22], [sflag:$0x1] =	stream.indirect_vreg.gather [hbm4b:s2+s3], $0x80, v4, vm0, $0xb8;
	[tilespmem:$0x8080] =	vst v63  }
0x62: {  	_ = 	snop  }
0x63: {  	[tilespmem:s23], [sflag:$0x1] =	stream.indirect_vreg.gather [hbm4b:s2+s3], $0x80, v3, vm0, $0xb8;
	[tilespmem:$0x8080] =	vst v63  }
0x64: {  	_ =	swait.ge [sflag:s24], $0x8000  }
0x65: {  	p0 =	sne.s32 s6, $0x1;
	[sflag:s24] =	ssyncset.done $0x0  }
.Ltmp0:
0x66: {  	[sflag:s24] =	ssyncadd.s32 $0xFFFF8000;
	(pc) =	sbr.rel @p0 .LBB2_1-.Ltmp0, $4  }
0x67: {  	[hbm4b:s5+s3] =	stream.linear.scatter [tilespmem:s8], [sflag:$0x2], $0x8000, $0x38;
	[tilespmem:$0x8080] =	vst v63  }
0x68: {  	_ =	swait.ge [sflag:s25], $0x8000  }
0x69: {  	[sflag:s25] =	ssyncset.done $0x0  }
0x6a: {  	s6 =	sadd.s32 $0xFFFFFFFF, s6;
	[sflag:s25] =	ssyncadd.s32 $0xFFFF8000  }
0x6b: {  	_ =	sfence.sel $0x180000  }
0x6c: {  	[bflag:$0x0] =	sbarrier.arrive $0xFFFF  }
0x6d: {  	p0 =	sne.s32 s1, $0x0;
	_ =	strace $0x90000047  }
0x6e: {  	s0 =	sadd.s32 @!p0 $0x100000, s0;
	[bflag:$0x2] =	sbarrier.arrive $0xFFFF  }
0x6f: {  	[sflag:s0] =	ssyncadd.tile.s32 @!p0 $0x1;
	_ =	shalt  }
.Lfunc_end2:
_tile_overlayer_lowered:
.L_overlay_start_2:
0x70: {  	(tag) =	ssettag $0x2  }
0x71: {  	s0 =	rddreg [dreg:$0x0];
	s2 =	stileid.u32  }
0x72: {  	s1 =	rddreg [dreg:$0x1];
	p0 =	sne.s32 s2, $0x0  }
0x73: {  	s3 =	rddreg [dreg:$0x2];
	[bflag:$0x3] =	sbarrier.arrive $0xFFFF;
	s2 =	simm.s32 @!p0 $0x1C03  }
0x74: {  	[timem:s3], [sflag:s2] =	dma.local @!p0 [hbm:s0], s1  }
0x75: {  	s0 =	simm.s32 @!p0 $0x3  }
0x76: {  	_ =	swait.ge @!p0 [sflag:s0], s1  }
0x77: {  	s1 =	ssub.s32 @!p0 $0x0, s1;
	[sflag:s0] =	ssyncset.done @!p0 $0x0  }
0x78: {  	[sflag:s0] =	ssyncadd.s32 @!p0 s1  }
0x79: {  	[bflag:$0x3] =	sbarrier.arrive $0xFFFF  }
0x7a: {  	_ =	shalt  }

</sc_bundles>
